<compile_context>
chip_gen: v7x
topology: tpu7x:2x2x1
jax: 0.10.2.dev20260603
libtpu: 0.0.44.dev20260713+nightly
codegen_flags: <defaults>
</compile_context>

<pallas_src>
import functools

import jax
import jax.numpy as jnp
from jax import lax
from jax.experimental import pallas as pl
from jax.experimental.pallas import tpu as pltpu
from jax.experimental.pallas import tpu_sc as plsc

N = 100000
D = 128
G = 512

NC = 2
NS = 16
NW = NC * NS
CHUNK = 125
IDXW = 128
NBUF = 4

N_SC = 8000
ROWS_PER_W = N_SC // NW
NCHUNK = ROWS_PER_W // CHUNK

N_TC = N - N_SC
TC_BLK = 4000
NTCB = N_TC // TC_BLK
NBLK = N // TC_BLK
WIN = 128


def _weighted_body(x_ref, w_ref, b_ref, wx_ref):
    x = x_ref[...]
    w = w_ref[...]
    b = b_ref[0, 0]
    score = jax.nn.sigmoid(jnp.sum(x * w, axis=1, keepdims=True) + b)
    wx_ref[...] = score * x


def _tc_weighted(x, w_row, b2):
    blk0 = N_TC // TC_BLK
    return pl.pallas_call(
        _weighted_body,
        grid=(N_SC // TC_BLK,),
        in_specs=[
            pl.BlockSpec((TC_BLK, D), lambda i: (i + blk0, 0)),
            pl.BlockSpec((1, D), lambda i: (0, 0)),
            pl.BlockSpec((1, 1), lambda i: (0, 0)),
        ],
        out_specs=pl.BlockSpec((TC_BLK, D), lambda i: (i, 0)),
        out_shape=jax.ShapeDtypeStruct((N_SC, D), jnp.float32),
        compiler_params=pltpu.CompilerParams(
            dimension_semantics=("arbitrary",),
        ),
    )(x, w_row, b2)


def _onehot_body(base_ref, inwin_ref, x_ref, batch_ref, w_ref, b_ref, out_ref):
    i = pl.program_id(0)

    @pl.when(i == 0)
    def _():
        out_ref[...] = jnp.zeros_like(out_ref)

    x = x_ref[...]
    w = w_ref[...]
    b = b_ref[0, 0]
    score = jax.nn.sigmoid(jnp.sum(x * w, axis=1, keepdims=True) + b)
    wx = score * x
    wx_hi = wx.astype(jnp.bfloat16)

    ids = batch_ref[0, 0, :]
    base = pl.multiple_of(base_ref[i], 8)

    @pl.when(inwin_ref[i] == 1)
    def _():
        rel = ids - base
        wids = jax.lax.broadcasted_iota(jnp.int32, (WIN, TC_BLK), 0)
        onehot_t = (wids == rel[None, :]).astype(jnp.bfloat16)
        out_ref[pl.ds(base, WIN), :] += jnp.dot(
            onehot_t, wx_hi, preferred_element_type=jnp.float32
        )

    @pl.when(inwin_ref[i] == 0)
    def _():
        gids = jax.lax.broadcasted_iota(jnp.int32, (G, TC_BLK), 0)
        onehot_t = (gids == ids[None, :]).astype(jnp.bfloat16)
        out_ref[...] += jnp.dot(
            onehot_t, wx_hi, preferred_element_type=jnp.float32
        )


def _tc_onehot(x, ids_tc, win_base, win_ok, w_row, b2):
    return pl.pallas_call(
        _onehot_body,
        grid=(NTCB,),
        in_specs=[
            pl.BlockSpec(memory_space=pltpu.SMEM),
            pl.BlockSpec(memory_space=pltpu.SMEM),
            pl.BlockSpec((TC_BLK, D), lambda i: (i, 0)),
            pl.BlockSpec((1, 1, TC_BLK), lambda i: (i, 0, 0)),
            pl.BlockSpec((1, D), lambda i: (0, 0)),
            pl.BlockSpec((1, 1), lambda i: (0, 0)),
        ],
        out_specs=pl.BlockSpec((G, D), lambda i: (0, 0)),
        out_shape=jax.ShapeDtypeStruct((G, D), jnp.float32),
        compiler_params=pltpu.CompilerParams(
            dimension_semantics=("arbitrary",),
        ),
    )(win_base, win_ok, x, ids_tc, w_row, b2)


def _sc_segsum(wx, ids_pad):
    mesh = plsc.VectorSubcoreMesh(core_axis_name="c", subcore_axis_name="s")

    @functools.partial(
        pl.kernel,
        mesh=mesh,
        out_type=jax.ShapeDtypeStruct((NC * G, D), jnp.float32),
        scratch_types=[
            pltpu.VMEM((NCHUNK, IDXW), jnp.int32),
            pltpu.VMEM((IDXW, D), jnp.float32),
            pltpu.VMEM((IDXW, D), jnp.float32),
            pltpu.VMEM((IDXW, D), jnp.float32),
            pltpu.VMEM((IDXW, D), jnp.float32),
            pltpu.VMEM((32, D), jnp.float32),
            pltpu.VMEM_SHARED((G, D), jnp.float32),
            pltpu.SemaphoreType.DMA,
            pltpu.SemaphoreType.DMA,
            pltpu.SemaphoreType.DMA,
            pltpu.SemaphoreType.DMA,
            pltpu.SemaphoreType.DMA,
            pltpu.SemaphoreType.DMA,
            pltpu.SemaphoreType.DMA,
            pltpu.SemaphoreType.DMA,
        ],
        compiler_params=pltpu.CompilerParams(use_tc_tiling_on_sc=False),
    )
    def seg_kernel(wx_hbm, ids_hbm, out_hbm, idx_v, b0, b1, b2, b3, zbuf,
                   acc_sh, r0, r1, r2, r3, s0, s1, s2, s3):
        cid = lax.axis_index("c")
        sid = lax.axis_index("s")
        wid = cid * NS + sid
        bufs = (b0, b1, b2, b3)
        rsem = (r0, r1, r2, r3)
        ssem = (s0, s1, s2, s3)

        zeros16 = jnp.zeros((16,), jnp.float32)

        @pl.loop(0, 32)
        def _(r):
            @pl.loop(0, D, step=16)
            def _(c0):
                zbuf[r, pl.ds(c0, 16)] = zeros16

        for buf in bufs:
            @pl.loop(CHUNK, IDXW)
            def _(r, buf=buf):
                @pl.loop(0, D, step=16)
                def _(c0):
                    buf[r, pl.ds(c0, 16)] = zeros16

        pltpu.sync_copy(zbuf, acc_sh.at[pl.ds(sid * 32, 32)])
        plsc.subcore_barrier()

        pltpu.sync_copy(ids_hbm.at[wid], idx_v)

        base = wid * ROWS_PER_W

        def read(j, b):
            return pltpu.async_copy(
                wx_hbm.at[pl.ds(base + j * CHUNK, CHUNK)],
                bufs[b].at[pl.ds(0, CHUNK)],
                rsem[b],
            )

        reads = {}
        scats = {}
        for j in range(min(NBUF, NCHUNK)):
            reads[j] = read(j, j % NBUF)
        for j in range(NCHUNK):
            b = j % NBUF
            reads[j].wait()
            scats[j] = pltpu.async_copy(
                bufs[b], acc_sh.at[idx_v.at[j]], ssem[b], add=True
            )
            k = j - (NBUF - 1)
            if k >= 0:
                scats[k].wait()
                nj = k + NBUF
                if nj < NCHUNK:
                    reads[nj] = read(nj, k % NBUF)
        for k in range(max(0, NCHUNK - (NBUF - 1)), NCHUNK):
            scats[k].wait()

        plsc.subcore_barrier()
        pltpu.sync_copy(
            acc_sh.at[pl.ds(sid * 32, 32)],
            out_hbm.at[pl.ds(cid * G + sid * 32, 32)],
        )

    return seg_kernel(wx, ids_pad)


def _merge_body(p_ref, t_ref, out_ref):
    out_ref[...] = p_ref[0] + p_ref[1] + t_ref[...]


def _tc_merge(partials, tc_out):
    return pl.pallas_call(
        _merge_body,
        in_specs=[
            pl.BlockSpec((NC, G, D), lambda: (0, 0, 0)),
            pl.BlockSpec((G, D), lambda: (0, 0)),
        ],
        out_specs=pl.BlockSpec((G, D), lambda: (0, 0)),
        out_shape=jax.ShapeDtypeStruct((G, D), jnp.float32),
    )(partials, tc_out)


def kernel(x, batch, W, b):
    batch = batch.astype(jnp.int32)
    ids_sc = batch[N_TC:].reshape(NW, NCHUNK, CHUNK)
    ids_pad = jnp.pad(ids_sc, ((0, 0), (0, 0), (0, IDXW - CHUNK)))
    ids_tc = batch[:N_TC].reshape(NTCB, 1, TC_BLK)
    firsts = ids_tc[:, 0, 0]
    lasts = ids_tc[:, 0, TC_BLK - 1]
    win_base = jnp.minimum(firsts & ~7, G - WIN).astype(jnp.int32)
    win_ok = (lasts - win_base < WIN).astype(jnp.int32)
    w_row = W.reshape(1, D)
    b2 = b.reshape(1, 1)
    wx = _tc_weighted(x, w_row, b2)
    partials = _sc_segsum(wx, ids_pad)
    tc_out = _tc_onehot(x, ids_tc, win_base, win_ok, w_row, b2)
    return _tc_merge(partials.reshape(NC, G, D), tc_out)

# --- scband reference (transcript-rebuilt; emitter-appended) ---
"""Pipeline reference for scband-self-attention-pooling-36747740184625 (READ-ONLY COPY).

The authoritative reference and input builder live on the scoring server;
editing this copy changes nothing except your own understanding.
"""

import jax, jax.numpy as jnp
import numpy as np

N = 100000
D = 128
NUM_GRAPHS = 512


def setup_inputs(seed: int = 0) -> dict:
    key = jax.random.key(seed)
    k1, k2, k3, k4 = jax.random.split(key, 4)
    x = jax.random.normal(k1, (N, D), dtype=jnp.float32)
    batch = jnp.sort(jax.random.randint(k2, (N,), 0, NUM_GRAPHS, dtype=jnp.int64))
    # Linear(in_dim=128, out=1): weight [1, 128] in torch; use W [D, 1] for x @ W
    W = jax.random.normal(k3, (D, 1), dtype=jnp.float32) * (1.0 / np.sqrt(D))
    b = jax.random.normal(k4, (1,), dtype=jnp.float32) * (1.0 / np.sqrt(D))
    return {"x": x, "batch": batch, "W": W, "b": b}


def reference(x, batch, W, b):
    # attn_scores = sigmoid(Linear(x))
    attn_scores = jax.nn.sigmoid(x @ W + b)  # [N, 1]
    weighted_x = attn_scores * x  # [N, D]
    num_segments = NUM_GRAPHS
    # scatter_add into zeros[num_graphs, D] keyed by batch id
    graph_embedding = jax.ops.segment_sum(weighted_x, batch, num_segments=num_segments)
    return graph_embedding

if __name__ == "__main__":
    import jax
    _d = setup_inputs()
    print(jax.jit(kernel)(*tuple(_d.values())))

</pallas_src>

<mosaic_0001>
#map = affine_map<(d0, d1) -> (0, 0)>
#map1 = affine_map<(d0, d1) -> (0, 0, 0)>
module attributes {stable_mosaic.version = 14 : i64} {
  func.func @seg_kernel(%arg0: i32, %arg1: i32, %arg2: memref<8000x128xf32, #tpu.memory_space<hbm>>, %arg3: memref<32x2x128xi32, #tpu.memory_space<hbm>>, %arg4: memref<1024x128xf32, #tpu.memory_space<hbm>>, %arg5: memref<2x128xi32, #tpu.memory_space<vmem>>, %arg6: memref<128x128xf32, #tpu.memory_space<vmem>>, %arg7: memref<128x128xf32, #tpu.memory_space<vmem>>, %arg8: memref<128x128xf32, #tpu.memory_space<vmem>>, %arg9: memref<128x128xf32, #tpu.memory_space<vmem>>, %arg10: memref<32x128xf32, #tpu.memory_space<vmem>>, %arg11: memref<512x128xf32, #tpu.memory_space<vmem_shared>>, %arg12: memref<!tpu.dma_semaphore, #tpu.memory_space<semaphore_mem>>, %arg13: memref<!tpu.dma_semaphore, #tpu.memory_space<semaphore_mem>>, %arg14: memref<!tpu.dma_semaphore, #tpu.memory_space<semaphore_mem>>, %arg15: memref<!tpu.dma_semaphore, #tpu.memory_space<semaphore_mem>>, %arg16: memref<!tpu.dma_semaphore, #tpu.memory_space<semaphore_mem>>, %arg17: memref<!tpu.dma_semaphore, #tpu.memory_space<semaphore_mem>>, %arg18: memref<!tpu.dma_semaphore, #tpu.memory_space<semaphore_mem>>, %arg19: memref<!tpu.dma_semaphore, #tpu.memory_space<semaphore_mem>>) attributes {dimension_semantics = [#tpu.dimension_semantics<core_parallel>, #tpu.dimension_semantics<subcore_parallel>], iteration_bounds = array<i64: 2, 16>, scalar_prefetch = 0 : i64, scratch_operands = 15 : i64, tpu.core_type = #tpu.core_type<sc_vector_subcore>, window_params = [{transform_indices = #map}, {transform_indices = #map1}, {transform_indices = #map}]} {
    %mul3A = arith.constant 16 : i32
    %mul3A_0 = arith.muli %arg0, %mul3A : i32
    %add3A = arith.addi %mul3A_0, %arg1 : i32
    %broadcast_in_dim3A = arith.constant 0.000000e+00 : f32
    %broadcast_in_dim3A_1 = vector.broadcast %broadcast_in_dim3A : f32 to vector<16xf32>
    %scan3A = arith.constant 0 : i32
    %scan3A_2 = arith.constant 32 : i32
    %scan3A_3 = arith.addi %scan3A, %scan3A_2 : i32
    %scan3A_4 = arith.constant 1 : i32
    scf.for %scan3A_108 = %scan3A to %scan3A_3 step %scan3A_4  : i32 {
      %mul3A_109 = arith.constant 1 : i32
      %mul3A_110 = arith.muli %scan3A_108, %mul3A_109 : i32
      %add3A_111 = arith.constant 0 : i32
      %add3A_112 = arith.addi %add3A_111, %mul3A_110 : i32
      %scan3A_113 = arith.constant 0 : i32
      %scan3A_114 = arith.constant 8 : i32
      %scan3A_115 = arith.addi %scan3A_113, %scan3A_114 : i32
      %scan3A_116 = arith.constant 1 : i32
      scf.for %scan3A_118 = %scan3A_113 to %scan3A_115 step %scan3A_116  : i32 {
        %mul3A_119 = arith.constant 16 : i32
        %mul3A_120 = arith.muli %scan3A_118, %mul3A_119 : i32
        %add3A_121 = arith.constant 0 : i32
        %add3A_122 = arith.addi %add3A_121, %mul3A_120 : i32
        %swap3A = arith.index_cast %add3A_112 : i32 to index
        %swap3A_123 = arith.index_cast %add3A_122 : i32 to index
        %swap3A_124 = tpu.vector_load %arg10[%swap3A, %swap3A_123] {strides = array<i32>} : memref<32x128xf32, #tpu.memory_space<vmem>>, vector<1x16xf32>,
        %swap3A_125 = vector.shape_cast %swap3A_124 : vector<1x16xf32> to vector<16xf32>
        %swap3A_126 = vector.shape_cast %broadcast_in_dim3A_1 : vector<16xf32> to vector<1x16xf32>
        tpu.vector_store %arg10[%swap3A, %swap3A_123], %swap3A_126 {strides = array<i32>} : memref<32x128xf32, #tpu.memory_space<vmem>>, vector<1x16xf32>,
      }
      %scan3A_117 = arith.constant 8 : i32
    }
    %scan3A_5 = arith.constant 32 : i32
    %scan3A_6 = arith.constant 0 : i32
    %scan3A_7 = arith.constant 3 : i32
    %scan3A_8 = arith.addi %scan3A_6, %scan3A_7 : i32
    %scan3A_9 = arith.constant 1 : i32
    scf.for %scan3A_108 = %scan3A_6 to %scan3A_8 step %scan3A_9  : i32 {
      %mul3A_109 = arith.constant 1 : i32
      %mul3A_110 = arith.muli %scan3A_108, %mul3A_109 : i32
      %add3A_111 = arith.constant 125 : i32
      %add3A_112 = arith.addi %add3A_111, %mul3A_110 : i32
      %scan3A_113 = arith.constant 0 : i32
      %scan3A_114 = arith.constant 8 : i32
      %scan3A_115 = arith.addi %scan3A_113, %scan3A_114 : i32
      %scan3A_116 = arith.constant 1 : i32
      scf.for %scan3A_118 = %scan3A_113 to %scan3A_115 step %scan3A_116  : i32 {
        %mul3A_119 = arith.constant 16 : i32
        %mul3A_120 = arith.muli %scan3A_118, %mul3A_119 : i32
        %add3A_121 = arith.constant 0 : i32
        %add3A_122 = arith.addi %add3A_121, %mul3A_120 : i32
        %swap3A = arith.index_cast %add3A_112 : i32 to index
        %swap3A_123 = arith.index_cast %add3A_122 : i32 to index
        %swap3A_124 = tpu.vector_load %arg6[%swap3A, %swap3A_123] {strides = array<i32>} : memref<128x128xf32, #tpu.memory_space<vmem>>, vector<1x16xf32>,
        %swap3A_125 = vector.shape_cast %swap3A_124 : vector<1x16xf32> to vector<16xf32>
        %swap3A_126 = vector.shape_cast %broadcast_in_dim3A_1 : vector<16xf32> to vector<1x16xf32>
        tpu.vector_store %arg6[%swap3A, %swap3A_123], %swap3A_126 {strides = array<i32>} : memref<128x128xf32, #tpu.memory_space<vmem>>, vector<1x16xf32>,
      }
      %scan3A_117 = arith.constant 8 : i32
    }
    %scan3A_10 = arith.constant 3 : i32
    %scan3A_11 = arith.constant 0 : i32
    %scan3A_12 = arith.constant 3 : i32
    %scan3A_13 = arith.addi %scan3A_11, %scan3A_12 : i32
    %scan3A_14 = arith.constant 1 : i32
    scf.for %scan3A_108 = %scan3A_11 to %scan3A_13 step %scan3A_14  : i32 {
      %mul3A_109 = arith.constant 1 : i32
      %mul3A_110 = arith.muli %scan3A_108, %mul3A_109 : i32
      %add3A_111 = arith.constant 125 : i32
      %add3A_112 = arith.addi %add3A_111, %mul3A_110 : i32
      %scan3A_113 = arith.constant 0 : i32
      %scan3A_114 = arith.constant 8 : i32
      %scan3A_115 = arith.addi %scan3A_113, %scan3A_114 : i32
      %scan3A_116 = arith.constant 1 : i32
      scf.for %scan3A_118 = %scan3A_113 to %scan3A_115 step %scan3A_116  : i32 {
        %mul3A_119 = arith.constant 16 : i32
        %mul3A_120 = arith.muli %scan3A_118, %mul3A_119 : i32
        %add3A_121 = arith.constant 0 : i32
        %add3A_122 = arith.addi %add3A_121, %mul3A_120 : i32
        %swap3A = arith.index_cast %add3A_112 : i32 to index
        %swap3A_123 = arith.index_cast %add3A_122 : i32 to index
        %swap3A_124 = tpu.vector_load %arg7[%swap3A, %swap3A_123] {strides = array<i32>} : memref<128x128xf32, #tpu.memory_space<vmem>>, vector<1x16xf32>,
        %swap3A_125 = vector.shape_cast %swap3A_124 : vector<1x16xf32> to vector<16xf32>
        %swap3A_126 = vector.shape_cast %broadcast_in_dim3A_1 : vector<16xf32> to vector<1x16xf32>
        tpu.vector_store %arg7[%swap3A, %swap3A_123], %swap3A_126 {strides = array<i32>} : memref<128x128xf32, #tpu.memory_space<vmem>>, vector<1x16xf32>,
      }
      %scan3A_117 = arith.constant 8 : i32
    }
    %scan3A_15 = arith.constant 3 : i32
    %scan3A_16 = arith.constant 0 : i32
    %scan3A_17 = arith.constant 3 : i32
    %scan3A_18 = arith.addi %scan3A_16, %scan3A_17 : i32
    %scan3A_19 = arith.constant 1 : i32
    scf.for %scan3A_108 = %scan3A_16 to %scan3A_18 step %scan3A_19  : i32 {
      %mul3A_109 = arith.constant 1 : i32
      %mul3A_110 = arith.muli %scan3A_108, %mul3A_109 : i32
      %add3A_111 = arith.constant 125 : i32
      %add3A_112 = arith.addi %add3A_111, %mul3A_110 : i32
      %scan3A_113 = arith.constant 0 : i32
      %scan3A_114 = arith.constant 8 : i32
      %scan3A_115 = arith.addi %scan3A_113, %scan3A_114 : i32
      %scan3A_116 = arith.constant 1 : i32
      scf.for %scan3A_118 = %scan3A_113 to %scan3A_115 step %scan3A_116  : i32 {
        %mul3A_119 = arith.constant 16 : i32
        %mul3A_120 = arith.muli %scan3A_118, %mul3A_119 : i32
        %add3A_121 = arith.constant 0 : i32
        %add3A_122 = arith.addi %add3A_121, %mul3A_120 : i32
        %swap3A = arith.index_cast %add3A_112 : i32 to index
        %swap3A_123 = arith.index_cast %add3A_122 : i32 to index
        %swap3A_124 = tpu.vector_load %arg8[%swap3A, %swap3A_123] {strides = array<i32>} : memref<128x128xf32, #tpu.memory_space<vmem>>, vector<1x16xf32>,
        %swap3A_125 = vector.shape_cast %swap3A_124 : vector<1x16xf32> to vector<16xf32>
        %swap3A_126 = vector.shape_cast %broadcast_in_dim3A_1 : vector<16xf32> to vector<1x16xf32>
        tpu.vector_store %arg8[%swap3A, %swap3A_123], %swap3A_126 {strides = array<i32>} : memref<128x128xf32, #tpu.memory_space<vmem>>, vector<1x16xf32>,
      }
      %scan3A_117 = arith.constant 8 : i32
    }
    %scan3A_20 = arith.constant 3 : i32
    %scan3A_21 = arith.constant 0 : i32
    %scan3A_22 = arith.constant 3 : i32
    %scan3A_23 = arith.addi %scan3A_21, %scan3A_22 : i32
    %scan3A_24 = arith.constant 1 : i32
    scf.for %scan3A_108 = %scan3A_21 to %scan3A_23 step %scan3A_24  : i32 {
      %mul3A_109 = arith.constant 1 : i32
      %mul3A_110 = arith.muli %scan3A_108, %mul3A_109 : i32
      %add3A_111 = arith.constant 125 : i32
      %add3A_112 = arith.addi %add3A_111, %mul3A_110 : i32
      %scan3A_113 = arith.constant 0 : i32
      %scan3A_114 = arith.constant 8 : i32
      %scan3A_115 = arith.addi %scan3A_113, %scan3A_114 : i32
      %scan3A_116 = arith.constant 1 : i32
      scf.for %scan3A_118 = %scan3A_113 to %scan3A_115 step %scan3A_116  : i32 {
        %mul3A_119 = arith.constant 16 : i32
        %mul3A_120 = arith.muli %scan3A_118, %mul3A_119 : i32
        %add3A_121 = arith.constant 0 : i32
        %add3A_122 = arith.addi %add3A_121, %mul3A_120 : i32
        %swap3A = arith.index_cast %add3A_112 : i32 to index
        %swap3A_123 = arith.index_cast %add3A_122 : i32 to index
        %swap3A_124 = tpu.vector_load %arg9[%swap3A, %swap3A_123] {strides = array<i32>} : memref<128x128xf32, #tpu.memory_space<vmem>>, vector<1x16xf32>,
        %swap3A_125 = vector.shape_cast %swap3A_124 : vector<1x16xf32> to vector<16xf32>
        %swap3A_126 = vector.shape_cast %broadcast_in_dim3A_1 : vector<16xf32> to vector<1x16xf32>
        tpu.vector_store %arg9[%swap3A, %swap3A_123], %swap3A_126 {strides = array<i32>} : memref<128x128xf32, #tpu.memory_space<vmem>>, vector<1x16xf32>,
      }
      %scan3A_117 = arith.constant 8 : i32
    }
    %scan3A_25 = arith.constant 3 : i32
    %mul3A_26 = arith.constant 32 : i32
    %mul3A_27 = arith.muli %arg1, %mul3A_26 : i32
    "tpu.region"() ({
      %run_scoped3A = tpu.sem_alloc : memref<!tpu.dma_semaphore, #tpu.memory_space<semaphore_mem>>
      %dma_start3A_108 = arith.constant 0 : i32
      %dma_start3A_109 = tpu.memref_slice %arg11[%mul3A_27, %dma_start3A_108] : memref<512x128xf32, #tpu.memory_space<vmem_shared>> -> memref<32x128xf32, #tpu.memory_space<vmem_shared>>
      %dma_start3A_110 = arith.constant 0 : i32
      %dma_start3A_111 = tpu.memref_slice %arg11[%mul3A_27, %dma_start3A_110] : memref<512x128xf32, #tpu.memory_space<vmem_shared>> -> memref<32x128xf32, #tpu.memory_space<vmem_shared>>
      tpu.enqueue_dma source(%arg10 : memref<32x128xf32, #tpu.memory_space<vmem>>) target(%dma_start3A_111 : memref<32x128xf32, #tpu.memory_space<vmem_shared>>) target_semaphore(%run_scoped3A : memref<!tpu.dma_semaphore, #tpu.memory_space<semaphore_mem>>)
      %dma_wait3A_112 = arith.constant 0 : i32
      %dma_wait3A_113 = tpu.memref_slice %arg11[%mul3A_27, %dma_wait3A_112] : memref<512x128xf32, #tpu.memory_space<vmem_shared>> -> memref<32x128xf32, #tpu.memory_space<vmem_shared>>
      %dma_wait3A_114 = arith.constant 0 : i32
      %dma_wait3A_115 = tpu.memref_slice %arg11[%mul3A_27, %dma_wait3A_114] : memref<512x128xf32, #tpu.memory_space<vmem_shared>> -> memref<32x128xf32, #tpu.memory_space<vmem_shared>>
      tpu.wait_dma2 semaphore(%run_scoped3A : memref<!tpu.dma_semaphore, #tpu.memory_space<semaphore_mem>>) src(%arg10 : memref<32x128xf32, #tpu.memory_space<vmem>>) dst(%dma_wait3A_115 : memref<32x128xf32, #tpu.memory_space<vmem_shared>>)
      tpu.yield
    }) : () -> ()
    %barrier3A = arith.constant 0 : index
    tpu.barrier barrier_id(%barrier3A)
    "tpu.region"() ({
      %run_scoped3A = tpu.sem_alloc : memref<!tpu.dma_semaphore, #tpu.memory_space<semaphore_mem>>
      %dma_start3A_108 = arith.constant 0 : i32
      %dma_start3A_109 = arith.constant 0 : i32
      %dma_start3A_110 = tpu.memref_slice %arg3[%add3A, %dma_start3A_108, %dma_start3A_109] : memref<32x2x128xi32, #tpu.memory_space<hbm>> -> memref<1x2x128xi32, #tpu.memory_space<hbm>>
      %dma_start3A_111 = tpu.memref_squeeze %dma_start3A_110 : memref<1x2x128xi32, #tpu.memory_space<hbm>> -> memref<2x128xi32, #tpu.memory_space<hbm>>
      %dma_start3A_112 = arith.constant 0 : i32
      %dma_start3A_113 = arith.constant 0 : i32
      %dma_start3A_114 = tpu.memref_slice %arg3[%add3A, %dma_start3A_112, %dma_start3A_113] : memref<32x2x128xi32, #tpu.memory_space<hbm>> -> memref<1x2x128xi32, #tpu.memory_space<hbm>>
      %dma_start3A_115 = tpu.memref_squeeze %dma_start3A_114 : memref<1x2x128xi32, #tpu.memory_space<hbm>> -> memref<2x128xi32, #tpu.memory_space<hbm>>
      tpu.enqueue_dma source(%dma_start3A_115 : memref<2x128xi32, #tpu.memory_space<hbm>>) target(%arg5 : memref<2x128xi32, #tpu.memory_space<vmem>>) target_semaphore(%run_scoped3A : memref<!tpu.dma_semaphore, #tpu.memory_space<semaphore_mem>>)
      %dma_wait3A_116 = arith.constant 0 : i32
      %dma_wait3A_117 = arith.constant 0 : i32
      %dma_wait3A_118 = tpu.memref_slice %arg3[%add3A, %dma_wait3A_116, %dma_wait3A_117] : memref<32x2x128xi32, #tpu.memory_space<hbm>> -> memref<1x2x128xi32, #tpu.memory_space<hbm>>
      %dma_wait3A_119 = tpu.memref_squeeze %dma_wait3A_118 : memref<1x2x128xi32, #tpu.memory_space<hbm>> -> memref<2x128xi32, #tpu.memory_space<hbm>>
      %dma_wait3A_120 = arith.constant 0 : i32
      %dma_wait3A_121 = arith.constant 0 : i32
      %dma_wait3A_122 = tpu.memref_slice %arg3[%add3A, %dma_wait3A_120, %dma_wait3A_121] : memref<32x2x128xi32, #tpu.memory_space<hbm>> -> memref<1x2x128xi32, #tpu.memory_space<hbm>>
      %dma_wait3A_123 = tpu.memref_squeeze %dma_wait3A_122 : memref<1x2x128xi32, #tpu.memory_space<hbm>> -> memref<2x128xi32, #tpu.memory_space<hbm>>
      tpu.wait_dma2 semaphore(%run_scoped3A : memref<!tpu.dma_semaphore, #tpu.memory_space<semaphore_mem>>) src(%dma_wait3A_123 : memref<2x128xi32, #tpu.memory_space<hbm>>) dst(%arg5 : memref<2x128xi32, #tpu.memory_space<vmem>>)
      tpu.yield
    }) : () -> ()
    %mul3A_28 = arith.constant 250 : i32
    %mul3A_29 = arith.muli %add3A, %mul3A_28 : i32
    %add3A_30 = arith.constant 0 : i32
    %add3A_31 = arith.addi %mul3A_29, %add3A_30 : i32
    %dma_start3A = arith.constant 0 : i32
    %dma_start3A_32 = arith.constant 0 : i32
    %dma_start3A_33 = tpu.memref_slice %arg6[%dma_start3A, %dma_start3A_32] : memref<128x128xf32, #tpu.memory_space<vmem>> -> memref<125x128xf32, #tpu.memory_space<vmem>>
    %dma_start3A_34 = arith.constant 0 : i32
    %dma_start3A_35 = tpu.memref_slice %arg2[%add3A_31, %dma_start3A_34] : memref<8000x128xf32, #tpu.memory_space<hbm>> -> memref<125x128xf32, #tpu.memory_space<hbm>>
    %dma_start3A_36 = arith.constant 0 : i32
    %dma_start3A_37 = arith.constant 0 : i32
    %dma_start3A_38 = tpu.memref_slice %arg6[%dma_start3A_36, %dma_start3A_37] : memref<128x128xf32, #tpu.memory_space<vmem>> -> memref<125x128xf32, #tpu.memory_space<vmem>>
    %dma_start3A_39 = arith.constant 0 : i32
    %dma_start3A_40 = tpu.memref_slice %arg2[%add3A_31, %dma_start3A_39] : memref<8000x128xf32, #tpu.memory_space<hbm>> -> memref<125x128xf32, #tpu.memory_space<hbm>>
    tpu.enqueue_dma source(%dma_start3A_40 : memref<125x128xf32, #tpu.memory_space<hbm>>) target(%dma_start3A_38 : memref<125x128xf32, #tpu.memory_space<vmem>>) target_semaphore(%arg12 : memref<!tpu.dma_semaphore, #tpu.memory_space<semaphore_mem>>)
    %add3A_41 = arith.constant 125 : i32
    %add3A_42 = arith.addi %mul3A_29, %add3A_41 : i32
    %dma_start3A_43 = arith.constant 0 : i32
    %dma_start3A_44 = arith.constant 0 : i32
    %dma_start3A_45 = tpu.memref_slice %arg7[%dma_start3A_43, %dma_start3A_44] : memref<128x128xf32, #tpu.memory_space<vmem>> -> memref<125x128xf32, #tpu.memory_space<vmem>>
    %dma_start3A_46 = arith.constant 0 : i32
    %dma_start3A_47 = tpu.memref_slice %arg2[%add3A_42, %dma_start3A_46] : memref<8000x128xf32, #tpu.memory_space<hbm>> -> memref<125x128xf32, #tpu.memory_space<hbm>>
    %dma_start3A_48 = arith.constant 0 : i32
    %dma_start3A_49 = arith.constant 0 : i32
    %dma_start3A_50 = tpu.memref_slice %arg7[%dma_start3A_48, %dma_start3A_49] : memref<128x128xf32, #tpu.memory_space<vmem>> -> memref<125x128xf32, #tpu.memory_space<vmem>>
    %dma_start3A_51 = arith.constant 0 : i32
    %dma_start3A_52 = tpu.memref_slice %arg2[%add3A_42, %dma_start3A_51] : memref<8000x128xf32, #tpu.memory_space<hbm>> -> memref<125x128xf32, #tpu.memory_space<hbm>>
    tpu.enqueue_dma source(%dma_start3A_52 : memref<125x128xf32, #tpu.memory_space<hbm>>) target(%dma_start3A_50 : memref<125x128xf32, #tpu.memory_space<vmem>>) target_semaphore(%arg13 : memref<!tpu.dma_semaphore, #tpu.memory_space<semaphore_mem>>)
    %dma_wait3A = arith.constant 0 : i32
    %dma_wait3A_53 = arith.constant 0 : i32
    %dma_wait3A_54 = tpu.memref_slice %arg6[%dma_wait3A, %dma_wait3A_53] : memref<128x128xf32, #tpu.memory_space<vmem>> -> memref<125x128xf32, #tpu.memory_space<vmem>>
    %dma_wait3A_55 = arith.constant 0 : i32
    %dma_wait3A_56 = tpu.memref_slice %arg2[%add3A_31, %dma_wait3A_55] : memref<8000x128xf32, #tpu.memory_space<hbm>> -> memref<125x128xf32, #tpu.memory_space<hbm>>
    %dma_wait3A_57 = arith.constant 0 : i32
    %dma_wait3A_58 = arith.constant 0 : i32
    %dma_wait3A_59 = tpu.memref_slice %arg6[%dma_wait3A_57, %dma_wait3A_58] : memref<128x128xf32, #tpu.memory_space<vmem>> -> memref<125x128xf32, #tpu.memory_space<vmem>>
    %dma_wait3A_60 = arith.constant 0 : i32
    %dma_wait3A_61 = tpu.memref_slice %arg2[%add3A_31, %dma_wait3A_60] : memref<8000x128xf32, #tpu.memory_space<hbm>> -> memref<125x128xf32, #tpu.memory_space<hbm>>
    tpu.wait_dma2 semaphore(%arg12 : memref<!tpu.dma_semaphore, #tpu.memory_space<semaphore_mem>>) src(%dma_wait3A_61 : memref<125x128xf32, #tpu.memory_space<hbm>>) dst(%dma_wait3A_59 : memref<125x128xf32, #tpu.memory_space<vmem>>)
    %dma_start3A_62 = arith.constant 0 : i32
    %dma_start3A_63 = arith.constant 0 : i32
    %dma_start3A_64 = tpu.memref_slice %arg5[%dma_start3A_62, %dma_start3A_63] : memref<2x128xi32, #tpu.memory_space<vmem>> -> memref<1x128xi32, #tpu.memory_space<vmem>>
    %dma_start3A_65 = tpu.memref_squeeze %dma_start3A_64 : memref<1x128xi32, #tpu.memory_space<vmem>> -> memref<128xi32, #tpu.memory_space<vmem>>
    %dma_start3A_66 = arith.constant 0 : i32
    %dma_start3A_67 = arith.constant 0 : i32
    %dma_start3A_68 = tpu.memref_slice %arg11[%dma_start3A_66, %dma_start3A_67] : memref<512x128xf32, #tpu.memory_space<vmem_shared>> -> memref<512x128xf32, #tpu.memory_space<vmem_shared>>
    tpu.enqueue_indirect_dma source(%arg6 : memref<128x128xf32, #tpu.memory_space<vmem>>) target(%dma_start3A_68 : memref<512x128xf32, #tpu.memory_space<vmem_shared>>) offsets(%dma_start3A_65 : memref<128xi32, #tpu.memory_space<vmem>>) semaphore(%arg16 : memref<!tpu.dma_semaphore, #tpu.memory_space<semaphore_mem>>) {add = true}
    %dma_wait3A_69 = arith.constant 0 : i32
    %dma_wait3A_70 = arith.constant 0 : i32
    %dma_wait3A_71 = tpu.memref_slice %arg7[%dma_wait3A_69, %dma_wait3A_70] : memref<128x128xf32, #tpu.memory_space<vmem>> -> memref<125x128xf32, #tpu.memory_space<vmem>>
    %dma_wait3A_72 = arith.constant 0 : i32
    %dma_wait3A_73 = tpu.memref_slice %arg2[%add3A_42, %dma_wait3A_72] : memref<8000x128xf32, #tpu.memory_space<hbm>> -> memref<125x128xf32, #tpu.memory_space<hbm>>
    %dma_wait3A_74 = arith.constant 0 : i32
    %dma_wait3A_75 = arith.constant 0 : i32
    %dma_wait3A_76 = tpu.memref_slice %arg7[%dma_wait3A_74, %dma_wait3A_75] : memref<128x128xf32, #tpu.memory_space<vmem>> -> memref<125x128xf32, #tpu.memory_space<vmem>>
    %dma_wait3A_77 = arith.constant 0 : i32
    %dma_wait3A_78 = tpu.memref_slice %arg2[%add3A_42, %dma_wait3A_77] : memref<8000x128xf32, #tpu.memory_space<hbm>> -> memref<125x128xf32, #tpu.memory_space<hbm>>
    tpu.wait_dma2 semaphore(%arg13 : memref<!tpu.dma_semaphore, #tpu.memory_space<semaphore_mem>>) src(%dma_wait3A_78 : memref<125x128xf32, #tpu.memory_space<hbm>>) dst(%dma_wait3A_76 : memref<125x128xf32, #tpu.memory_space<vmem>>)
    %dma_start3A_79 = arith.constant 1 : i32
    %dma_start3A_80 = arith.constant 0 : i32
    %dma_start3A_81 = tpu.memref_slice %arg5[%dma_start3A_79, %dma_start3A_80] : memref<2x128xi32, #tpu.memory_space<vmem>> -> memref<1x128xi32, #tpu.memory_space<vmem>>
    %dma_start3A_82 = tpu.memref_squeeze %dma_start3A_81 : memref<1x128xi32, #tpu.memory_space<vmem>> -> memref<128xi32, #tpu.memory_space<vmem>>
    %dma_start3A_83 = arith.constant 0 : i32
    %dma_start3A_84 = arith.constant 0 : i32
    %dma_start3A_85 = tpu.memref_slice %arg11[%dma_start3A_83, %dma_start3A_84] : memref<512x128xf32, #tpu.memory_space<vmem_shared>> -> memref<512x128xf32, #tpu.memory_space<vmem_shared>>
    tpu.enqueue_indirect_dma source(%arg7 : memref<128x128xf32, #tpu.memory_space<vmem>>) target(%dma_start3A_85 : memref<512x128xf32, #tpu.memory_space<vmem_shared>>) offsets(%dma_start3A_82 : memref<128xi32, #tpu.memory_space<vmem>>) semaphore(%arg17 : memref<!tpu.dma_semaphore, #tpu.memory_space<semaphore_mem>>) {add = true}
    %dma_wait3A_86 = arith.constant 0 : i32
    %dma_wait3A_87 = arith.constant 0 : i32
    %dma_wait3A_88 = tpu.memref_slice %arg5[%dma_wait3A_86, %dma_wait3A_87] : memref<2x128xi32, #tpu.memory_space<vmem>> -> memref<1x128xi32, #tpu.memory_space<vmem>>
    %dma_wait3A_89 = tpu.memref_squeeze %dma_wait3A_88 : memref<1x128xi32, #tpu.memory_space<vmem>> -> memref<128xi32, #tpu.memory_space<vmem>>
    %dma_wait3A_90 = arith.constant 0 : i32
    %dma_wait3A_91 = arith.constant 0 : i32
    %dma_wait3A_92 = tpu.memref_slice %arg11[%dma_wait3A_90, %dma_wait3A_91] : memref<512x128xf32, #tpu.memory_space<vmem_shared>> -> memref<512x128xf32, #tpu.memory_space<vmem_shared>>
    tpu.wait_indirect_dma semaphore(%arg16 : memref<!tpu.dma_semaphore, #tpu.memory_space<semaphore_mem>>) src(%arg6 : memref<128x128xf32, #tpu.memory_space<vmem>>) dst(%dma_wait3A_92 : memref<512x128xf32, #tpu.memory_space<vmem_shared>>)
    %dma_wait3A_93 = arith.constant 1 : i32
    %dma_wait3A_94 = arith.constant 0 : i32
    %dma_wait3A_95 = tpu.memref_slice %arg5[%dma_wait3A_93, %dma_wait3A_94] : memref<2x128xi32, #tpu.memory_space<vmem>> -> memref<1x128xi32, #tpu.memory_space<vmem>>
    %dma_wait3A_96 = tpu.memref_squeeze %dma_wait3A_95 : memref<1x128xi32, #tpu.memory_space<vmem>> -> memref<128xi32, #tpu.memory_space<vmem>>
    %dma_wait3A_97 = arith.constant 0 : i32
    %dma_wait3A_98 = arith.constant 0 : i32
    %dma_wait3A_99 = tpu.memref_slice %arg11[%dma_wait3A_97, %dma_wait3A_98] : memref<512x128xf32, #tpu.memory_space<vmem_shared>> -> memref<512x128xf32, #tpu.memory_space<vmem_shared>>
    tpu.wait_indirect_dma semaphore(%arg17 : memref<!tpu.dma_semaphore, #tpu.memory_space<semaphore_mem>>) src(%arg7 : memref<128x128xf32, #tpu.memory_space<vmem>>) dst(%dma_wait3A_99 : memref<512x128xf32, #tpu.memory_space<vmem_shared>>)
    %barrier3A_100 = arith.constant 0 : index
    tpu.barrier barrier_id(%barrier3A_100)
    %mul3A_101 = arith.constant 32 : i32
    %mul3A_102 = arith.muli %arg1, %mul3A_101 : i32
    %mul3A_103 = arith.constant 512 : i32
    %mul3A_104 = arith.muli %arg0, %mul3A_103 : i32
    %mul3A_105 = arith.constant 32 : i32
    %mul3A_106 = arith.muli %arg1, %mul3A_105 : i32
    %add3A_107 = arith.addi %mul3A_104, %mul3A_106 : i32
    "tpu.region"() ({
      %run_scoped3A = tpu.sem_alloc : memref<!tpu.dma_semaphore, #tpu.memory_space<semaphore_mem>>
      %dma_start3A_108 = arith.constant 0 : i32
      %dma_start3A_109 = tpu.memref_slice %arg4[%add3A_107, %dma_start3A_108] : memref<1024x128xf32, #tpu.memory_space<hbm>> -> memref<32x128xf32, #tpu.memory_space<hbm>>
      %dma_start3A_110 = arith.constant 0 : i32
      %dma_start3A_111 = tpu.memref_slice %arg11[%mul3A_102, %dma_start3A_110] : memref<512x128xf32, #tpu.memory_space<vmem_shared>> -> memref<32x128xf32, #tpu.memory_space<vmem_shared>>
      tpu.enqueue_dma source(%dma_start3A_111 : memref<32x128xf32, #tpu.memory_space<vmem_shared>>) target(%dma_start3A_109 : memref<32x128xf32, #tpu.memory_space<hbm>>) target_semaphore(%run_scoped3A : memref<!tpu.dma_semaphore, #tpu.memory_space<semaphore_mem>>)
      %dma_wait3A_112 = arith.constant 0 : i32
      %dma_wait3A_113 = tpu.memref_slice %arg4[%add3A_107, %dma_wait3A_112] : memref<1024x128xf32, #tpu.memory_space<hbm>> -> memref<32x128xf32, #tpu.memory_space<hbm>>
      %dma_wait3A_114 = arith.constant 0 : i32
      %dma_wait3A_115 = tpu.memref_slice %arg11[%mul3A_102, %dma_wait3A_114] : memref<512x128xf32, #tpu.memory_space<vmem_shared>> -> memref<32x128xf32, #tpu.memory_space<vmem_shared>>
      tpu.wait_dma2 semaphore(%run_scoped3A : memref<!tpu.dma_semaphore, #tpu.memory_space<semaphore_mem>>) src(%dma_wait3A_115 : memref<32x128xf32, #tpu.memory_space<vmem_shared>>) dst(%dma_wait3A_113 : memref<32x128xf32, #tpu.memory_space<hbm>>)
      tpu.yield
    }) : () -> ()
    return
  }
}

module attributes {stable_mosaic.version = 14 : i64} {
  func.func @_weighted_body(%arg0: i32, %arg1: memref<4000x128xf32, #tpu.memory_space<vmem>>, %arg2: memref<1x128xf32, #tpu.memory_space<vmem>>, %arg3: memref<1x1xf32, #tpu.memory_space<vmem>>, %arg4: memref<4000x128xf32, #tpu.memory_space<vmem>>) attributes {dimension_semantics = [#tpu.dimension_semantics<arbitrary>], iteration_bounds = array<i64: 2>, scalar_prefetch = 0 : i64, scratch_operands = 0 : i64, tpu.core_type = #tpu.core_type<tc>, window_params = [{transform_indices = @transform_0, window_bounds = array<i64: 4000, 128>}, {pipeline_mode = #tpu.pipeline_mode<synchronous>, transform_indices = @transform_1, window_bounds = array<i64: 1, 128>}, {pipeline_mode = #tpu.pipeline_mode<synchronous>, transform_indices = @transform_2, window_bounds = array<i64: 1, 1>}, {transform_indices = @transform_3, window_bounds = array<i64: 4000, 128>}]} {
    %get3A = arith.constant 0 : index
    %get3A_0 = arith.constant 0 : index
    %get3A_1 = vector.load %arg1[%get3A, %get3A_0] : memref<4000x128xf32, #tpu.memory_space<vmem>>, vector<4000x128xf32>
    %get3A_2 = arith.constant 0 : index
    %get3A_3 = arith.constant 0 : index
    %get3A_4 = vector.load %arg2[%get3A_2, %get3A_3] : memref<1x128xf32, #tpu.memory_space<vmem>>, vector<1x128xf32>
    %get3A_5 = arith.constant 0 : index
    %get3A_6 = arith.constant 0 : index
    %get3A_7 = vector.load %arg3[%get3A_5, %get3A_6] : memref<1x1xf32, #tpu.memory_space<vmem>>, vector<1x1xf32>
    %get3A_8 = vector.extract %get3A_7[0, 0] : f32 from vector<1x1xf32>
    %mul3A = vector.broadcast %get3A_4 : vector<1x128xf32> to vector<4000x128xf32>
    %mul3A_9 = arith.mulf %get3A_1, %mul3A : vector<4000x128xf32>
    %reduce_sum3A = arith.constant dense<0.000000e+00> : vector<4000xf32>
    %reduce_sum3A_10 = vector.multi_reduction <add>, %mul3A_9, %reduce_sum3A [1] : vector<4000x128xf32> to vector<4000xf32>
    %broadcast_in_dim3A = vector.shape_cast %reduce_sum3A_10 : vector<4000xf32> to vector<4000x1xf32>
    %add3A = vector.broadcast %get3A_8 : f32 to vector<4000x1xf32>
    %add3A_11 = arith.addf %broadcast_in_dim3A, %add3A : vector<4000x1xf32>
    %logistic3A = arith.negf %add3A_11 : vector<4000x1xf32>
    %logistic3A_12 = math.exp %logistic3A : vector<4000x1xf32>
    %logistic3A_13 = arith.constant 1.000000e+00 : f32
    %logistic3A_14 = vector.broadcast %logistic3A_13 : f32 to vector<4000x1xf32>
    %logistic3A_15 = arith.addf %logistic3A_14, %logistic3A_12 : vector<4000x1xf32>
    %logistic3A_16 = arith.divf %logistic3A_14, %logistic3A_15 : vector<4000x1xf32>
    %mul3A_17 = vector.broadcast %logistic3A_16 : vector<4000x1xf32> to vector<4000x128xf32>
    %mul3A_18 = arith.mulf %mul3A_17, %get3A_1 : vector<4000x128xf32>
    %swap3A = arith.constant 0 : index
    %swap3A_19 = arith.constant 0 : index
    %swap3A_20 = vector.load %arg4[%swap3A, %swap3A_19] : memref<4000x128xf32, #tpu.memory_space<vmem>>, vector<4000x128xf32>
    tpu.vector_store %arg4[%swap3A, %swap3A_19], %mul3A_18 {strides = array<i32>} : memref<4000x128xf32, #tpu.memory_space<vmem>>, vector<4000x128xf32>,
    return
  }
  func.func @transform_0(%arg0: i32) -> (i32, i32) {
    %add3A = arith.constant 23 : i32
    %add3A_0 = arith.addi %arg0, %add3A : i32
    %c0_i32 = arith.constant 0 : i32
    %c0_i32_1 = arith.constant 0 : i32
    return %add3A_0, %c0_i32 : i32, i32
  }
  func.func @transform_1(%arg0: i32) -> (i32, i32) {
    %c0_i32 = arith.constant 0 : i32
    %c0_i32_0 = arith.constant 0 : i32
    %c0_i32_1 = arith.constant 0 : i32
    return %c0_i32, %c0_i32_0 : i32, i32
  }
  func.func @transform_2(%arg0: i32) -> (i32, i32) {
    %c0_i32 = arith.constant 0 : i32
    %c0_i32_0 = arith.constant 0 : i32
    %c0_i32_1 = arith.constant 0 : i32
    return %c0_i32, %c0_i32_0 : i32, i32
  }
  func.func @transform_3(%arg0: i32) -> (i32, i32) {
    %c0_i32 = arith.constant 0 : i32
    %c0_i32_0 = arith.constant 0 : i32
    return %arg0, %c0_i32 : i32, i32
  }
}

module attributes {stable_mosaic.version = 14 : i64} {
  func.func @_onehot_body(%arg0: i32, %arg1: memref<23xi32, #tpu.memory_space<smem>>, %arg2: memref<23xi32, #tpu.memory_space<smem>>, %arg3: memref<4000x128xf32, #tpu.memory_space<vmem>>, %arg4: memref<1x1x4000xi32, #tpu.memory_space<vmem>>, %arg5: memref<1x128xf32, #tpu.memory_space<vmem>>, %arg6: memref<1x1xf32, #tpu.memory_space<vmem>>, %arg7: memref<512x128xf32, #tpu.memory_space<vmem>>) attributes {dimension_semantics = [#tpu.dimension_semantics<arbitrary>], iteration_bounds = array<i64: 23>, scalar_prefetch = 0 : i64, scratch_operands = 0 : i64, tpu.core_type = #tpu.core_type<tc>, window_params = [{transform_indices = @transform_0, window_bounds = array<i64: 23>}, {transform_indices = @transform_1, window_bounds = array<i64: 23>}, {transform_indices = @transform_2, window_bounds = array<i64: 4000, 128>}, {transform_indices = @transform_3, window_bounds = array<i64: 1, 1, 4000>}, {pipeline_mode = #tpu.pipeline_mode<synchronous>, transform_indices = @transform_4, window_bounds = array<i64: 1, 128>}, {pipeline_mode = #tpu.pipeline_mode<synchronous>, transform_indices = @transform_5, window_bounds = array<i64: 1, 1>}, {pipeline_mode = #tpu.pipeline_mode<synchronous>, transform_indices = @transform_6, window_bounds = array<i64: 512, 128>}]} {
    %eq3A = arith.constant 0 : i32
    %eq3A_0 = arith.cmpi eq, %arg0, %eq3A : i32
    %convert_element_type3A = arith.extui %eq3A_0 : i1 to i32
    %cond3A = arith.constant 0 : i32
    %cond3A_1 = arith.cmpi ne, %convert_element_type3A, %cond3A : i32
    scf.if %cond3A_1 {
      %broadcast_in_dim3A_43 = arith.constant 0.000000e+00 : f32
      %broadcast_in_dim3A_44 = vector.broadcast %broadcast_in_dim3A_43 : f32 to vector<512x128xf32>
      %swap3A = arith.constant 0 : index
      %swap3A_45 = arith.constant 0 : index
      %swap3A_46 = vector.load %arg7[%swap3A, %swap3A_45] : memref<512x128xf32, #tpu.memory_space<vmem>>, vector<512x128xf32>
      tpu.vector_store %arg7[%swap3A, %swap3A_45], %broadcast_in_dim3A_44 {strides = array<i32>} : memref<512x128xf32, #tpu.memory_space<vmem>>, vector<512x128xf32>,
    } else {
    }
    %get3A = arith.constant 0 : index
    %get3A_2 = arith.constant 0 : index
    %get3A_3 = vector.load %arg3[%get3A, %get3A_2] : memref<4000x128xf32, #tpu.memory_space<vmem>>, vector<4000x128xf32>
    %get3A_4 = arith.constant 0 : index
    %get3A_5 = arith.constant 0 : index
    %get3A_6 = vector.load %arg5[%get3A_4, %get3A_5] : memref<1x128xf32, #tpu.memory_space<vmem>>, vector<1x128xf32>
    %get3A_7 = arith.constant 0 : index
    %get3A_8 = arith.constant 0 : index
    %get3A_9 = vector.load %arg6[%get3A_7, %get3A_8] : memref<1x1xf32, #tpu.memory_space<vmem>>, vector<1x1xf32>
    %get3A_10 = vector.extract %get3A_9[0, 0] : f32 from vector<1x1xf32>
    %mul3A = vector.broadcast %get3A_6 : vector<1x128xf32> to vector<4000x128xf32>
    %mul3A_11 = arith.mulf %get3A_3, %mul3A : vector<4000x128xf32>
    %reduce_sum3A = arith.constant dense<0.000000e+00> : vector<4000xf32>
    %reduce_sum3A_12 = vector.multi_reduction <add>, %mul3A_11, %reduce_sum3A [1] : vector<4000x128xf32> to vector<4000xf32>
    %broadcast_in_dim3A = vector.shape_cast %reduce_sum3A_12 : vector<4000xf32> to vector<4000x1xf32>
    %add3A = vector.broadcast %get3A_10 : f32 to vector<4000x1xf32>
    %add3A_13 = arith.addf %broadcast_in_dim3A, %add3A : vector<4000x1xf32>
    %logistic3A = arith.negf %add3A_13 : vector<4000x1xf32>
    %logistic3A_14 = math.exp %logistic3A : vector<4000x1xf32>
    %logistic3A_15 = arith.constant 1.000000e+00 : f32
    %logistic3A_16 = vector.broadcast %logistic3A_15 : f32 to vector<4000x1xf32>
    %logistic3A_17 = arith.addf %logistic3A_16, %logistic3A_14 : vector<4000x1xf32>
    %logistic3A_18 = arith.divf %logistic3A_16, %logistic3A_17 : vector<4000x1xf32>
    %mul3A_19 = vector.broadcast %logistic3A_18 : vector<4000x1xf32> to vector<4000x128xf32>
    %mul3A_20 = arith.mulf %mul3A_19, %get3A_3 : vector<4000x128xf32>
    %convert_element_type3A_21 = arith.truncf %mul3A_20 : vector<4000x128xf32> to vector<4000x128xbf16>
    %get3A_22 = arith.constant 0 : index
    %get3A_23 = arith.constant 0 : index
    %get3A_24 = arith.constant 0 : index
    %get3A_25 = vector.load %arg4[%get3A_22, %get3A_23, %get3A_24] : memref<1x1x4000xi32, #tpu.memory_space<vmem>>, vector<1x1x4000xi32>
    %get3A_26 = vector.shape_cast %get3A_25 : vector<1x1x4000xi32> to vector<4000xi32>
    %get3A_27 = arith.index_cast %arg0 : i32 to index
    %get3A_28 = memref.load %arg1[%get3A_27] : memref<23xi32, #tpu.memory_space<smem>>
    %multiple_of3A = tpu.assume_multiple %get3A_28, 8 : i32
    %get3A_29 = arith.index_cast %arg0 : i32 to index
    %get3A_30 = memref.load %arg2[%get3A_29] : memref<23xi32, #tpu.memory_space<smem>>
    %eq3A_31 = arith.constant 1 : i32
    %eq3A_32 = arith.cmpi eq, %get3A_30, %eq3A_31 : i32
    %convert_element_type3A_33 = arith.extui %eq3A_32 : i1 to i32
    %cond3A_34 = arith.constant 0 : i32
    %cond3A_35 = arith.cmpi ne, %convert_element_type3A_33, %cond3A_34 : i32
    scf.if %cond3A_35 {
      %sub3A = vector.broadcast %multiple_of3A : i32 to vector<4000xi32>
      %sub3A_43 = arith.subi %get3A_26, %sub3A : vector<4000xi32>
      %iota3A = tpu.iota {dimensions = array<i32: 0>} : vector<128x4000xi32>
      %broadcast_in_dim3A_44 = vector.shape_cast %sub3A_43 : vector<4000xi32> to vector<1x4000xi32>
      %eq3A_45 = vector.broadcast %broadcast_in_dim3A_44 : vector<1x4000xi32> to vector<128x4000xi32>
      %eq3A_46 = arith.cmpi eq, %iota3A, %eq3A_45 : vector<128x4000xi32>
      %convert_element_type3A_47 = arith.extui %eq3A_46 : vector<128x4000xi1> to vector<128x4000xi32>
      %convert_element_type3A_48 = arith.sitofp %convert_element_type3A_47 : vector<128x4000xi32> to vector<128x4000xf32>
      %convert_element_type3A_49 = arith.truncf %convert_element_type3A_48 : vector<128x4000xf32> to vector<128x4000xbf16>
      %get3A_50 = arith.index_cast %multiple_of3A : i32 to index
      %get3A_51 = arith.constant 0 : index
      %get3A_52 = vector.load %arg7[%get3A_50, %get3A_51] : memref<512x128xf32, #tpu.memory_space<vmem>>, vector<128x128xf32>
      %dot_general3A = arith.constant dense<0.000000e+00> : vector<128x128xf32>
      %dot_general3A_53 = tpu.matmul %convert_element_type3A_49, %convert_element_type3A_21, %dot_general3A {dimension_numbers = #tpu.dot_dimension_numbers<[1], [0], [0], [1], [0, 0, 1, 1], [], []>, transpose_lhs_hint = false} : vector<128x4000xbf16>, vector<4000x128xbf16>, vector<128x128xf32> -> vector<128x128xf32>
      %add3A_54 = arith.addf %get3A_52, %dot_general3A_53 : vector<128x128xf32>
      %swap3A = arith.index_cast %multiple_of3A : i32 to index
      %swap3A_55 = arith.constant 0 : index
      %swap3A_56 = vector.load %arg7[%swap3A, %swap3A_55] : memref<512x128xf32, #tpu.memory_space<vmem>>, vector<128x128xf32>
      tpu.vector_store %arg7[%swap3A, %swap3A_55], %add3A_54 {strides = array<i32>} : memref<512x128xf32, #tpu.memory_space<vmem>>, vector<128x128xf32>,
    } else {
    }
    %get3A_36 = arith.index_cast %arg0 : i32 to index
    %get3A_37 = memref.load %arg2[%get3A_36] : memref<23xi32, #tpu.memory_space<smem>>
    %eq3A_38 = arith.constant 0 : i32
    %eq3A_39 = arith.cmpi eq, %get3A_37, %eq3A_38 : i32
    %convert_element_type3A_40 = arith.extui %eq3A_39 : i1 to i32
    %cond3A_41 = arith.constant 0 : i32
    %cond3A_42 = arith.cmpi ne, %convert_element_type3A_40, %cond3A_41 : i32
    scf.if %cond3A_42 {
      %iota3A = tpu.iota {dimensions = array<i32: 0>} : vector<512x4000xi32>
      %broadcast_in_dim3A_43 = vector.shape_cast %get3A_26 : vector<4000xi32> to vector<1x4000xi32>
      %eq3A_44 = vector.broadcast %broadcast_in_dim3A_43 : vector<1x4000xi32> to vector<512x4000xi32>
      %eq3A_45 = arith.cmpi eq, %iota3A, %eq3A_44 : vector<512x4000xi32>
      %convert_element_type3A_46 = arith.extui %eq3A_45 : vector<512x4000xi1> to vector<512x4000xi32>
      %convert_element_type3A_47 = arith.sitofp %convert_element_type3A_46 : vector<512x4000xi32> to vector<512x4000xf32>
      %convert_element_type3A_48 = arith.truncf %convert_element_type3A_47 : vector<512x4000xf32> to vector<512x4000xbf16>
      %get3A_49 = arith.constant 0 : index
      %get3A_50 = arith.constant 0 : index
      %get3A_51 = vector.load %arg7[%get3A_49, %get3A_50] : memref<512x128xf32, #tpu.memory_space<vmem>>, vector<512x128xf32>
      %dot_general3A = arith.constant dense<0.000000e+00> : vector<512x128xf32>
      %dot_general3A_52 = tpu.matmul %convert_element_type3A_48, %convert_element_type3A_21, %dot_general3A {dimension_numbers = #tpu.dot_dimension_numbers<[1], [0], [0], [1], [0, 0, 1, 1], [], []>, transpose_lhs_hint = false} : vector<512x4000xbf16>, vector<4000x128xbf16>, vector<512x128xf32> -> vector<512x128xf32>
      %add3A_53 = arith.addf %get3A_51, %dot_general3A_52 : vector<512x128xf32>
      %swap3A = arith.constant 0 : index
      %swap3A_54 = arith.constant 0 : index
      %swap3A_55 = vector.load %arg7[%swap3A, %swap3A_54] : memref<512x128xf32, #tpu.memory_space<vmem>>, vector<512x128xf32>
      tpu.vector_store %arg7[%swap3A, %swap3A_54], %add3A_53 {strides = array<i32>} : memref<512x128xf32, #tpu.memory_space<vmem>>, vector<512x128xf32>,
    } else {
    }
    return
  }
  func.func @transform_0(%arg0: i32) -> i32 {
    %c0_i32 = arith.constant 0 : i32
    %c0_i32_0 = arith.constant 0 : i32
    return %c0_i32 : i32
  }
  func.func @transform_1(%arg0: i32) -> i32 {
    %c0_i32 = arith.constant 0 : i32
    %c0_i32_0 = arith.constant 0 : i32
    return %c0_i32 : i32
  }
  func.func @transform_2(%arg0: i32) -> (i32, i32) {
    %c0_i32 = arith.constant 0 : i32
    %c0_i32_0 = arith.constant 0 : i32
    return %arg0, %c0_i32 : i32, i32
  }
  func.func @transform_3(%arg0: i32) -> (i32, i32, i32) {
    %c0_i32 = arith.constant 0 : i32
    %c0_i32_0 = arith.constant 0 : i32
    %c0_i32_1 = arith.constant 0 : i32
    return %arg0, %c0_i32, %c0_i32_0 : i32, i32, i32
  }
  func.func @transform_4(%arg0: i32) -> (i32, i32) {
    %c0_i32 = arith.constant 0 : i32
    %c0_i32_0 = arith.constant 0 : i32
    %c0_i32_1 = arith.constant 0 : i32
    return %c0_i32, %c0_i32_0 : i32, i32
  }
  func.func @transform_5(%arg0: i32) -> (i32, i32) {
    %c0_i32 = arith.constant 0 : i32
    %c0_i32_0 = arith.constant 0 : i32
    %c0_i32_1 = arith.constant 0 : i32
    return %c0_i32, %c0_i32_0 : i32, i32
  }
  func.func @transform_6(%arg0: i32) -> (i32, i32) {
    %c0_i32 = arith.constant 0 : i32
    %c0_i32_0 = arith.constant 0 : i32
    %c0_i32_1 = arith.constant 0 : i32
    return %c0_i32, %c0_i32_0 : i32, i32
  }
}

module attributes {stable_mosaic.version = 14 : i64} {
  func.func @_merge_body(%arg0: memref<2x512x128xf32, #tpu.memory_space<vmem>>, %arg1: memref<512x128xf32, #tpu.memory_space<vmem>>, %arg2: memref<512x128xf32, #tpu.memory_space<vmem>>) attributes {dimension_semantics = [], scalar_prefetch = 0 : i64, scratch_operands = 0 : i64, tpu.core_type = #tpu.core_type<tc>} {
    %get3A = arith.constant 0 : index
    %get3A_0 = arith.constant 0 : index
    %get3A_1 = arith.constant 0 : index
    %get3A_2 = vector.load %arg0[%get3A, %get3A_0, %get3A_1] : memref<2x512x128xf32, #tpu.memory_space<vmem>>, vector<1x512x128xf32>
    %get3A_3 = vector.shape_cast %get3A_2 : vector<1x512x128xf32> to vector<512x128xf32>
    %get3A_4 = arith.constant 1 : index
    %get3A_5 = arith.constant 0 : index
    %get3A_6 = arith.constant 0 : index
    %get3A_7 = vector.load %arg0[%get3A_4, %get3A_5, %get3A_6] : memref<2x512x128xf32, #tpu.memory_space<vmem>>, vector<1x512x128xf32>
    %get3A_8 = vector.shape_cast %get3A_7 : vector<1x512x128xf32> to vector<512x128xf32>
    %add3A = arith.addf %get3A_3, %get3A_8 : vector<512x128xf32>
    %get3A_9 = arith.constant 0 : index
    %get3A_10 = arith.constant 0 : index
    %get3A_11 = vector.load %arg1[%get3A_9, %get3A_10] : memref<512x128xf32, #tpu.memory_space<vmem>>, vector<512x128xf32>
    %add3A_12 = arith.addf %add3A, %get3A_11 : vector<512x128xf32>
    %swap3A = arith.constant 0 : index
    %swap3A_13 = arith.constant 0 : index
    %swap3A_14 = vector.load %arg2[%swap3A, %swap3A_13] : memref<512x128xf32, #tpu.memory_space<vmem>>, vector<512x128xf32>
    tpu.vector_store %arg2[%swap3A, %swap3A_13], %add3A_12 {strides = array<i32>} : memref<512x128xf32, #tpu.memory_space<vmem>>, vector<512x128xf32>,
    return
  }
}

</mosaic_0001>

<sc_bundles>
// kernel: kernel.6.cloned.1.call-start
scs
__scs_entry_jumppad:
0x0: {  	(pc) =	sbr.rel $0x88, $3  }
0x1: {  	(tag) =	ssettag $0x0;
	lr =	simm.s32 $0x1  }
0x2: {  	[smem:$0x3F9D] =	sst lr;
	_ =	strace $0xD0000000  }
0x3: {  	_ = 	snop  }
0x4: {  	_ = 	snop  }
0x5: {  	_ = 	snop  }
0x6: {  	_ = 	snop  }
0x7: {  	_ = 	snop  }
__scs_overlays_trampoline_lowered:
0x8: {  	[smem:$0x3FAC] =	sst s0  }
0x9: {  	[smem:$0x3FAD] =	sst s1  }
0xa: {  	[smem:$0x3FAE] =	sst s2  }
0xb: {  	[smem:$0x3FAF] =	sst s3  }
0xc: {  	[smem:$0x3FB0] =	sst s4  }
0xd: {  	[smem:$0x3FB1] =	sst s5  }
0xe: {  	[smem:$0x3FB2] =	sst s6  }
0xf: {  	[smem:$0x3FB3] =	sst s7  }
0x10: {  	[smem:$0x3FB4] =	sst s8  }
0x11: {  	[smem:$0x3FB5] =	sst s9;
	s0 =	simm.s32 @!p0 $0x0  }
0x12: {  	s1 =	sld [smem:$0x3F9B];
	s0 =	simm.s32 @p0 $0x1  }
0x13: {  	[smem:$0x3FB6] =	sst s0;
	s0 =	simm.s32 @!p1 $0x0  }
0x14: {  	s2 =	sld [smem:$0x3F9A];
	s0 =	simm.s32 @p1 $0x1  }
0x15: {  	[smem:$0x3FB7] =	sst s0;
	s0 =	simm.s32 @!p2 $0x0  }
0x16: {  	s3 =	sld [smem:$0x3FDB];
	s0 =	simm.s32 @p2 $0x1  }
0x17: {  	s4 =	simm.s32 $0x1BF5;
	[smem:$0x3FB9] =	sst s0  }
0x18: {  	s0 =	sld [smem:$0x3F9C];
	_ =	swait.ge [sflag:s4], $0x0  }
0x19: {  	s7 =	sld [smem:$0x3F9D]  }
0x1a: {  	s8 =	sadd.s32 $0xFFFFE003, lr  }
0x1b: {  	s9 =	sadd.s32 $0xFFFFFEF7, lr;
	s5 =	simm.s32 $0xFFFFFFFF;
	p2 =	slt.u32 s8, $0xFFFFF086  }
0x1c: {  	p1 =	slt.u32 s9, $0xF7A;
	s5 =	simm.s32 @!p2 $0x0  }
0x1d: {  	s5 =	simm.s32 @p1 $0x1;
	p0 =	seq.s32 s7, s2  }
0x1e: {  	s7 =	smul.u32 @!p0 $0xF7A, s2;
	p2 =	seq.s32 @!p0 s5, $0x0  }
0x1f: {  	s9 =	smul.u32 $0xF7A, s1;
	s8 =	simm.s32 @!p0 $0x1BF5;
	p2 =	por !p2, p0  }
0x20: {  	[sflag:s8] =	ssyncset.s32 @!p0 $0xFFFFF086;
	s6 =	sadd.s32 @!p0 s3, s7;
	s7 =	simm.s32 @!p0 $0x108  }
0x21: {  	s3 =	sadd.s32 s3, s9;
	s6 =	sadd.s32 @!p0 $0x88, s6;
	s7 =	simm.s32 @p2 $0x1082  }
0x22: {  	[simem:s7], [sflag:s8] =	dma.local @!p0 [hbm:s6], $0xF7A  }
0x23: {  	s9 =	sor.u32 $0xD0000000, s2;
	s6 =	simm.s32 $0x108;
	_ =	swait.ge @!p0 [sflag:s8], $0x0  }
0x24: {  	s3 =	sadd.s32 $0x88, s3;
	s6 =	simm.s32 @!p1 $0x1082;
	[sflag:s4] =	ssyncset.s32 $0xFFFFF086  }
0x25: {  	[simem:s6], [sflag:s4] =	dma.local [hbm:s3], $0xF7A  }
0x26: {  	[smem:$0x3F9D] =	sst s1;
	(tag) =	ssettag s2;
	_ =	strace s9  }
0x27: {  	s1 =	sld [smem:$0x3FAD]  }
0x28: {  	s2 =	sld [smem:$0x3FAE]  }
0x29: {  	s4 =	sld [smem:$0x3FB0]  }
0x2a: {  	p0 =	seq.s32 s5, $0x0;
	s5 =	sld [smem:$0x3FB1]  }
0x2b: {  	s6 =	sld [smem:$0x3FB2]  }
0x2c: {  	s7 =	sld [smem:$0x3FB3]  }
0x2d: {  	s3 =	simm.s32 $0x108;
	s8 =	sld [smem:$0x3FB4]  }
0x2e: {  	s3 =	simm.s32 @!p0 $0x1082;
	s9 =	sld [smem:$0x3FB5]  }
0x2f: {  	lr =	sadd.s32 s0, s3;
	s0 =	sld [smem:$0x3FAC]  }
0x30: {  	s3 =	sld [smem:$0x3FAF]  }
0x31: {  	[smem:$0x3FB8] =	sst s10  }
0x32: {  	s10 =	sld [smem:$0x3FB6];
	_ =	sdelay $0x3  }
0x33: {  	p0 =	seq.s32 s10, $0x1;
	s10 =	sld [smem:$0x3FB8];
	_ =	sdelay $0x3  }
0x34: {  	[smem:$0x3FB8] =	sst s10  }
0x35: {  	s10 =	sld [smem:$0x3FB7];
	_ =	sdelay $0x3  }
0x36: {  	p1 =	seq.s32 s10, $0x1;
	s10 =	sld [smem:$0x3FB8];
	_ =	sdelay $0x3  }
0x37: {  	[smem:$0x3FB8] =	sst s10  }
0x38: {  	s10 =	sld [smem:$0x3FB9]  }
0x39: {  	_ = 	snop;
	(pc) =	sbr.ind lr, $3  }
0x3a: {  	_ = 	snop  }
0x3b: {  	_ = 	snop  }
0x3c: {  	p2 =	seq.s32 s10, $0x1;
	s10 =	sld [smem:$0x3FB8]  }
0x3d: {  	_ =	shalt  }
0x3e: {  	_ =	shalt  }
0x3f: {  	_ =	shalt  }
0x40: {  	_ =	shalt  }
0x41: {  	_ =	shalt  }
0x42: {  	_ =	shalt  }
0x43: {  	_ =	shalt  }
0x44: {  	_ =	shalt  }
0x45: {  	_ =	shalt  }
0x46: {  	_ =	shalt  }
0x47: {  	_ =	shalt  }
0x48: {  	_ =	shalt  }
0x49: {  	_ =	shalt  }
0x4a: {  	_ =	shalt  }
0x4b: {  	_ =	shalt  }
0x4c: {  	_ =	shalt  }
0x4d: {  	_ =	shalt  }
0x4e: {  	_ =	shalt  }
0x4f: {  	_ =	shalt  }
0x50: {  	_ =	shalt  }
0x51: {  	_ =	shalt  }
0x52: {  	_ =	shalt  }
0x53: {  	_ =	shalt  }
0x54: {  	_ =	shalt  }
0x55: {  	_ =	shalt  }
0x56: {  	_ =	shalt  }
0x57: {  	_ =	shalt  }
0x58: {  	_ =	shalt  }
0x59: {  	_ =	shalt  }
0x5a: {  	_ =	shalt  }
0x5b: {  	_ =	shalt  }
0x5c: {  	_ =	shalt  }
0x5d: {  	_ =	shalt  }
0x5e: {  	_ =	shalt  }
0x5f: {  	_ =	shalt  }
0x60: {  	_ =	shalt  }
0x61: {  	_ =	shalt  }
0x62: {  	_ =	shalt  }
0x63: {  	_ =	shalt  }
0x64: {  	_ =	shalt  }
0x65: {  	_ =	shalt  }
0x66: {  	_ =	shalt  }
0x67: {  	_ =	shalt  }
0x68: {  	_ =	shalt  }
0x69: {  	_ =	shalt  }
0x6a: {  	_ =	shalt  }
0x6b: {  	_ =	shalt  }
0x6c: {  	_ =	shalt  }
0x6d: {  	_ =	shalt  }
0x6e: {  	_ =	shalt  }
0x6f: {  	_ =	shalt  }
0x70: {  	_ =	shalt  }
0x71: {  	_ =	shalt  }
0x72: {  	_ =	shalt  }
0x73: {  	_ =	shalt  }
0x74: {  	_ =	shalt  }
0x75: {  	_ =	shalt  }
0x76: {  	_ =	shalt  }
0x77: {  	_ =	shalt  }
0x78: {  	_ =	shalt  }
0x79: {  	_ =	shalt  }
0x7a: {  	_ =	shalt  }
0x7b: {  	_ =	shalt  }
0x7c: {  	_ =	shalt  }
0x7d: {  	_ =	shalt  }
0x7e: {  	_ =	shalt  }
0x7f: {  	_ =	shalt  }
0x80: {  	_ =	shalt  }
0x81: {  	_ =	shalt  }
0x82: {  	_ =	shalt  }
0x83: {  	_ =	shalt  }
0x84: {  	_ =	shalt  }
0x85: {  	_ =	shalt  }
0x86: {  	_ =	shalt  }
0x87: {  	_ =	shalt  }
.Lfunc_end0:
.L_simem_size_0:
called_computation_lowered:
.L_overlay_start_0:
0x88: {  	s2 =	sld [smem:$0x3FD9]  }
0x89: {  	s3 =	sld [smem:$0x3FFE];
	_ =	sdelay $0x1  }
0x8a: {  	s1 =	srdreg.scid  }
0x8b: {  	s0 =	sand.u32 $0x1, s1  }
0x8c: {  	s17 =	sshll.u32 s0, $0xA;
	s2 =	sadd.s32 s3, s2  }
0x8d: {  	s2 =	sadd.s32 s2, s17  }
0x8e: {  	[smem:$0x3FC4] =	sst s2  }
0x8f: {  	_ = 	snop  }
0x90: {  	s2 =	sld [smem:$0x3FD0];
	(tm) =	ssettm $0x1  }
0x91: {  	s18 =	sld [smem:$0x3FFB];
	_ =	sdelay $0x3  }
0x92: {  	_ =	strace s18  }
0x93: {  	s3 =	sld [smem:$0x3FFC];
	_ =	sdelay $0x3  }
0x94: {  	_ =	strace s3  }
0x95: {  	s3 =	sld [smem:$0x3FFD];
	_ =	sdelay $0x3  }
0x96: {  	_ =	strace s3  }
0x97: {  	_ =	strace $0x8FFFFFFF  }
0x98: {  	s19 =	sld [smem:$0x3FDB];
	_ =	sdelay $0x1  }
0x99: {  	s4 =	simm.s32 $_scs_section_size  }
0x9a: {  	s5 =	simm.s32 $_size__tile_overlayer_lowered;
	s6 =	simm.s32 $_tile_overlayer_lowered  }
0x9b: {  	s22 =	simm.s32 $0x1BFF;
	s21 =	sshll.u32 s6, $0x1;
	s3 =	sadd.s32 s4, s19  }
0x9c: {  	s7 =	simm.s32 $0x0;
	s20 =	sshll.u32 s5, $0x1;
	s5 =	sadd.s32 s21, s3  }
0x9d: {  	[timem:s7], [sflag:s22] =	dma.local [hbm:s5], s20  }
0x9e: {  	_ =	swait.ge [sflag:s22], s20  }
0x9f: {  	s4 =	ssub.s32 $0x0, s20;
	[sflag:s22] =	ssyncset.done $0x0  }
0xa0: {  	[sflag:s22] =	ssyncadd.s32 s4;
	_ =	sdelay $0x1  }
0xa1: {  	s23 =	simm.s32 $0x1B8B  }
0xa2: {  	_ =	swait.ge [sflag:s23], $0x1  }
0xa3: {  	[sflag:s23] =	ssyncset.done $0x0  }
0xa4: {  	s25 =	simm.s32 $0x1B8E;
	s24 =	sld [smem:$0x3FFE];
	[sflag:s23] =	ssyncadd.s32 $0xFFFFFFFF  }
0xa5: {  	s26 =	simm.s32 $execute0_lowered;
	[smem:$0x3FD2] =	sst s25  }
0xa6: {  	s5 =	sshll.u32 s26, $0x1;
	_ =	strace $0x80000046;
	[dreg:$0x1] =	wrdreg $0xFFFFFFFF  }
0xa7: {  	s28 =	simm.s32 $_size_execute0_lowered;
	s3 =	sadd.s32 s3, s5;
	[dreg:$0x0] =	wrdreg $0x0  }
0xa8: {  	s5 =	sshll.u32 s28, $0x1;
	[dreg:$0x2] =	wrdreg s3  }
0xa9: {  	[dreg:$0x3] =	wrdreg s5  }
0xaa: {  	[dreg:$0x4] =	wrdreg $0xC0  }
0xab: {  	_ =	task [dreg:s7], $0x5FFFF  }
0xac: {  	[dreg:$0x1] =	wrdreg $0xFFFFFFFF  }
0xad: {  	[dreg:$0x0] =	wrdreg $0x60  }
0xae: {  	[dreg:$0x2] =	wrdreg s24  }
0xaf: {  	[dreg:$0x3] =	wrdreg s2  }
0xb0: {  	[dreg:$0x4] =	wrdreg $0x111000  }
0xb1: {  	[dreg:$0x5] =	wrdreg $0x9  }
0xb2: {  	_ =	task.clear_ibuf [dreg:s7], $0x6FFFF;
	_ =	strace $0x90000046  }
0xb3: {  	s29 =	simm.s32 $0x9;
	_ =	strace $0x80000048  }
0xb4: {  	_ =	swait.ge [sflag:s29], $0x1  }
0xb5: {  	[sflag:s29] =	ssyncadd.s32 $0xFFFFFFFF  }
0xb6: {  	_ =	strace $0x90000048  }
0xb7: {  	_ =	sfence  }
0xb8: {  	s30 =	sld [smem:$0x0];
	_ =	sdelay $0x2  }
0xb9: {  	s31 =	sshll.u32 s1, $0xD;
	s1 =	sshrl.u32 s1, $0x2  }
0xba: {  	s3 =	sand.u32 $0x4000, s31;
	s1 =	sadd.s32 s1, s30  }
0xbb: {  	s0 =	sor.u32 s3, s0;
	s1 =	sshll.u32 s1, $0x11  }
0xbc: {  	s0 =	sor.u32 s1, s0  }
0xbd: {  	s0 =	sadd.s32 $0x8F2B, s0  }
0xbe: {  	[sflag:s0] =	ssyncadd.remote.s32 $0x1  }
0xbf: {  	_ =	sfence.sel $0xFFFF  }
0xc0: {  	[dreg:$0x0] =	wrdreg $0xFFFFFFFF;
	(pc) =	sbr.abs _section_cstart, $3  }
0xc1: {  	[dreg:$0x1] =	wrdreg $0xFFFFFFFF  }
0xc2: {  	_ =	task.clear_ibuf [dreg:s7], $0x2FFFF;
	_ =	strace $0x9FFFFFFF  }
0xc3: {  	(tm) =	ssettm $0x7FFFFFFF  }
tec
execute0_lowered:
.L_overlay_start_1:
0x0: {  	(tag) =	ssettag $0x1  }
0x1: {  	s4 =	rddreg [dreg:$0x0]  }
0x2: {  	s5 =	rddreg [dreg:$0x1]  }
0x3: {  	s1 =	rddreg [dreg:$0x2]  }
0x4: {  	s0 =	rddreg [dreg:$0x3];
	s2 =	simm.s32 $0x0;
	s3 =	srdreg.scid  }
0x5: {  	s14 =	simm.s32 $0x1;
	s15 =	simm.s32 $0x80;
	s16 =	simm.s32 $0x2  }
0x6: {  	s17 =	simm.s32 $0x3;
	s18 =	simm.s32 $0x4;
	s21 =	simm.s32 $0x0  }
0x7: {  	[smem:$0x7FF] =	sst s2;
	s6 =	sand.u32 $0x1, s3;
	s7 =	sadd.s32 $0x800, s4  }
0x8: {  	s3 =	stileid.u32;
	_ =	strace $0x80000047;
	s8 =	sshll.u32 s6, $0x4  }
0x9: {  	s9 =	sshll.u32 s3, $0x9;
	s10 =	ssub.s32 $0x2, s6;
	s12 =	sshll.u32 s3, $0xC  }
0xa: {  	s30 =	sshll.u32 s6, $0xD;
	s19 =	sshll.u32 s3, $0x6;
	s8 =	sor.u32 s3, s8  }
0xb: {  	s11 =	sshrl.u32 s10, $0x1;
	s9 =	sadd.s32 s9, s4;
	s4 =	sadd.s32 s12, s1  }
0xc: {  	s12 =	simm.s32 $0x100;
	s19 =	sor.u32 $0x1C05, s19;
	s13 =	smul.u32 $0x7D00, s8  }
0xd: {  	s10 =	ssub.s32 s10, s11;
	s26 =	sshll.u32 s8, $0x5;
	s8 =	smul.u32 $0xFA0, s8  }
0xe: {  	s31 =	sadd.s32 s30, s9;
	s11 =	simm.s32 $0x5;
	s20 =	sshrl.u32 s4, $0x3  }
0xf: {  	s5 =	sadd.s32 s5, s26;
	s9 =	smax.u32 s10, $0x1;
	s28 =	sshrl.u32 s13, $0x3  }
0x10: {  	s10 =	simm.s32 $0x10100;
	s6 =	sadd.s32 s7, s8;
	s29 =	sadd.s32 s7, s28  }
0x11: {  	v0 =	vimm.f32 $0.0e+00;
	s8 =	sadd.s32 $0x1FC00, s31;
	s13 =	simm.s32 $0x4100;
	s7 =	sadd.s32 $0x7D0, s29  }
.LBB2_1:
0x12: {  	s22 =	simm.s32 $0x0;
	s23 =	simm.s32 $0x200  }
.LBB2_2:
0x13: {  	p0 =	sne.s32 s23, $0x3E00;
	[tilespmem:s22+$0x10170] =	vst v0  }
0x14: {  	[tilespmem:s22+$0x10100] =	vst v0  }
0x15: {  	[tilespmem:s22+$0x10110] =	vst v0  }
.Ltmp0:
0x16: {  	[tilespmem:s22+$0x10120] =	vst v0;
	(pc) =	sbr.rel @p0 .LBB2_2-.Ltmp0, $4  }
0x17: {  	[tilespmem:s22+$0x10130] =	vst v0  }
0x18: {  	[tilespmem:s22+$0x10140] =	vst v0  }
0x19: {  	[tilespmem:s22+$0x10150] =	vst v0  }
0x1a: {  	[tilespmem:s22+$0x10160] =	vst v0;
	s22 =	sshra.s32 s23, $0x2;
	s23 =	sadd.s32 $0x200, s23  }
0x1b: {  	[tilespmem:s22+$0x10170] =	vst v0  }
0x1c: {  	[tilespmem:s22+$0x10100] =	vst v0  }
0x1d: {  	[tilespmem:s22+$0x10110] =	vst v0  }
0x1e: {  	[tilespmem:s22+$0x10120] =	vst v0  }
0x1f: {  	[tilespmem:s22+$0x10130] =	vst v0  }
0x20: {  	[tilespmem:s22+$0x10140] =	vst v0  }
0x21: {  	[tilespmem:s22+$0x10150] =	vst v0  }
0x22: {  	[tilespmem:s22+$0x10160] =	vst v0  }
0x23: {  	[tilespmem:$0x3F80] =	vst v0  }
0x24: {  	[tilespmem:$0x3F90] =	vst v0  }
0x25: {  	[tilespmem:$0x3FA0] =	vst v0  }
0x26: {  	[tilespmem:$0x3FB0] =	vst v0  }
0x27: {  	[tilespmem:$0x3FC0] =	vst v0  }
0x28: {  	[tilespmem:$0x3FD0] =	vst v0  }
0x29: {  	[tilespmem:$0x3FE0] =	vst v0  }
0x2a: {  	[tilespmem:$0x3FF0] =	vst v0  }
0x2b: {  	[tilespmem:$0x4000] =	vst v0  }
0x2c: {  	[tilespmem:$0x4010] =	vst v0  }
0x2d: {  	[tilespmem:$0x4020] =	vst v0  }
0x2e: {  	[tilespmem:$0x4030] =	vst v0  }
0x2f: {  	[tilespmem:$0x4040] =	vst v0  }
0x30: {  	[tilespmem:$0x4050] =	vst v0  }
0x31: {  	[tilespmem:$0x4060] =	vst v0  }
0x32: {  	[tilespmem:$0x4070] =	vst v0  }
0x33: {  	[tilespmem:$0x4080] =	vst v0  }
0x34: {  	[tilespmem:$0x4090] =	vst v0  }
0x35: {  	[tilespmem:$0x40A0] =	vst v0  }
0x36: {  	[tilespmem:$0x40B0] =	vst v0  }
0x37: {  	[tilespmem:$0x40C0] =	vst v0  }
0x38: {  	[tilespmem:$0x40D0] =	vst v0  }
0x39: {  	[tilespmem:$0x40E0] =	vst v0  }
0x3a: {  	[tilespmem:$0x40F0] =	vst v0  }
0x3b: {  	[tilespmem:$0x7F80] =	vst v0  }
0x3c: {  	[tilespmem:$0x7F90] =	vst v0  }
0x3d: {  	[tilespmem:$0x7FA0] =	vst v0  }
0x3e: {  	[tilespmem:$0x7FB0] =	vst v0  }
0x3f: {  	[tilespmem:$0x7FC0] =	vst v0  }
0x40: {  	[tilespmem:$0x7FD0] =	vst v0  }
0x41: {  	[tilespmem:$0x7FE0] =	vst v0  }
0x42: {  	[tilespmem:$0x7FF0] =	vst v0  }
0x43: {  	[tilespmem:$0x8000] =	vst v0  }
0x44: {  	[tilespmem:$0x8010] =	vst v0  }
0x45: {  	[tilespmem:$0x8020] =	vst v0  }
0x46: {  	[tilespmem:$0x8030] =	vst v0  }
0x47: {  	[tilespmem:$0x8040] =	vst v0  }
0x48: {  	[tilespmem:$0x8050] =	vst v0  }
0x49: {  	[tilespmem:$0x8060] =	vst v0  }
0x4a: {  	[tilespmem:$0x8070] =	vst v0  }
0x4b: {  	[tilespmem:$0x8080] =	vst v0  }
0x4c: {  	[tilespmem:$0x8090] =	vst v0  }
0x4d: {  	[tilespmem:$0x80A0] =	vst v0  }
0x4e: {  	[tilespmem:$0x80B0] =	vst v0  }
0x4f: {  	[tilespmem:$0x80C0] =	vst v0  }
0x50: {  	[tilespmem:$0x80D0] =	vst v0  }
0x51: {  	[tilespmem:$0x80E0] =	vst v0  }
0x52: {  	[tilespmem:$0x80F0] =	vst v0  }
0x53: {  	[tilespmem:$0xBF80] =	vst v0  }
0x54: {  	[tilespmem:$0xBF90] =	vst v0  }
0x55: {  	[tilespmem:$0xBFA0] =	vst v0  }
0x56: {  	[tilespmem:$0xBFB0] =	vst v0  }
0x57: {  	[tilespmem:$0xBFC0] =	vst v0  }
0x58: {  	[tilespmem:$0xBFD0] =	vst v0  }
0x59: {  	[tilespmem:$0xBFE0] =	vst v0  }
0x5a: {  	[tilespmem:$0xBFF0] =	vst v0  }
0x5b: {  	[tilespmem:$0xC000] =	vst v0  }
0x5c: {  	[tilespmem:$0xC010] =	vst v0  }
0x5d: {  	[tilespmem:$0xC020] =	vst v0  }
0x5e: {  	[tilespmem:$0xC030] =	vst v0  }
0x5f: {  	[tilespmem:$0xC040] =	vst v0  }
0x60: {  	[tilespmem:$0xC050] =	vst v0  }
0x61: {  	[tilespmem:$0xC060] =	vst v0  }
0x62: {  	[tilespmem:$0xC070] =	vst v0  }
0x63: {  	[tilespmem:$0xC080] =	vst v0  }
0x64: {  	[tilespmem:$0xC090] =	vst v0  }
0x65: {  	[tilespmem:$0xC0A0] =	vst v0  }
0x66: {  	[tilespmem:$0xC0B0] =	vst v0  }
0x67: {  	[tilespmem:$0xC0C0] =	vst v0  }
0x68: {  	[tilespmem:$0xC0D0] =	vst v0  }
0x69: {  	[tilespmem:$0xC0E0] =	vst v0  }
0x6a: {  	[tilespmem:$0xC0F0] =	vst v0  }
0x6b: {  	[tilespmem:$0xFF80] =	vst v0  }
0x6c: {  	[tilespmem:$0xFF90] =	vst v0  }
0x6d: {  	[tilespmem:$0xFFA0] =	vst v0  }
0x6e: {  	[tilespmem:$0xFFB0] =	vst v0  }
0x6f: {  	[tilespmem:$0xFFC0] =	vst v0  }
0x70: {  	[tilespmem:$0xFFD0] =	vst v0  }
0x71: {  	[tilespmem:$0xFFE0] =	vst v0  }
0x72: {  	[tilespmem:$0xFFF0] =	vst v0  }
0x73: {  	[tilespmem:$0x10000] =	vst v0  }
0x74: {  	[tilespmem:$0x10010] =	vst v0  }
0x75: {  	[tilespmem:$0x10020] =	vst v0  }
0x76: {  	[tilespmem:$0x10030] =	vst v0  }
0x77: {  	[tilespmem:$0x10040] =	vst v0  }
0x78: {  	[tilespmem:$0x10050] =	vst v0  }
0x79: {  	[tilespmem:$0x10060] =	vst v0  }
0x7a: {  	[tilespmem:$0x10070] =	vst v0  }
0x7b: {  	[tilespmem:$0x10080] =	vst v0  }
0x7c: {  	[tilespmem:$0x10090] =	vst v0  }
0x7d: {  	[tilespmem:$0x100A0] =	vst v0  }
0x7e: {  	[tilespmem:$0x100B0] =	vst v0  }
0x7f: {  	[tilespmem:$0x100C0] =	vst v0  }
0x80: {  	[tilespmem:$0x100D0] =	vst v0  }
0x81: {  	[tilespmem:$0x100E0] =	vst v0  }
0x82: {  	[tilespmem:$0x100F0] =	vst v0  }
0x83: {  	[spmem:s4] =	stream.linear.scatter [tilespmem:s10], [sflag:$0x5], $0x1000, $0x38;
	[tilespmem:$0x12100] =	vst v63  }
0x84: {  	_ =	swait.ge [sflag:s11], $0x1000  }
0x85: {  	[sflag:s11] =	ssyncset.done $0x0  }
0x86: {  	[sflag:s11] =	ssyncadd.s32 $0xFFFFF000  }
0x87: {  	[bflag:$0x0] =	sbarrier.arrive $0xFFFF  }
0x88: {  	[tilespmem:s2], [sflag:$0x5] =	stream.linear.gather [hbm4b:s5+s2], $0x100, $0x38;
	[tilespmem:$0x12100] =	vst v63  }
0x89: {  	_ =	swait.ge [sflag:s11], $0x100  }
0x8a: {  	[sflag:s11] =	ssyncset.done $0x0  }
0x8b: {  	[sflag:s11] =	ssyncadd.s32 $0xFFFFFF00  }
0x8c: {  	[tilespmem:s12], [sflag:$0x1] =	stream.linear.gather [hbm4b:s6+s2], $0x3E80, $0x38;
	[tilespmem:$0x12100] =	vst v63  }
0x8d: {  	_ = 	snop  }
0x8e: {  	[tilespmem:s13], [sflag:$0x2] =	stream.linear.gather [hbm4b:s7+s2], $0x3E80, $0x38;
	[tilespmem:$0x12100] =	vst v63  }
0x8f: {  	_ =	swait.ge [sflag:s14], $0x3E80  }
0x90: {  	[sflag:s14] =	ssyncset.done $0x0  }
0x91: {  	[sflag:s14] =	ssyncadd.s32 $0xFFFFC180  }
0x92: {  	[spmem:s1] =	stream.indirect.scatter.add.f32 [tilespmem:s12], [sflag:$0x3], $0x80, s2, s15, $0xb8;
	[tilespmem:$0x12100] =	vst v63  }
0x93: {  	_ =	swait.ge [sflag:s16], $0x3E80  }
0x94: {  	[sflag:s16] =	ssyncset.done $0x0  }
0x95: {  	[sflag:s16] =	ssyncadd.s32 $0xFFFFC180  }
0x96: {  	[spmem:s1] =	stream.indirect.scatter.add.f32 [tilespmem:s13], [sflag:$0x4], $0x80, s15, s15, $0xb8;
	[tilespmem:$0x12100] =	vst v63  }
0x97: {  	_ =	swait.ge [sflag:s17], $0x4000  }
0x98: {  	[sflag:s17] =	ssyncset.done $0x0  }
0x99: {  	[sflag:s17] =	ssyncadd.s32 $0xFFFFC000  }
0x9a: {  	_ =	swait.ge [sflag:s18], $0x4000  }
0x9b: {  	s21 =	sadd.s32 $0x1, s21;
	[sflag:s18] =	ssyncset.done $0x0  }
0x9c: {  	p0 =	sne.s32 s21, s9;
	[sflag:s18] =	ssyncadd.s32 $0xFFFFC000  }
.Ltmp1:
0x9d: {  	[bflag:$0x0] =	sbarrier.arrive $0xFFFF;
	(pc) =	sbr.rel @p0 .LBB2_1-.Ltmp1, $4  }
0x9e: {  	[hbm:s8], [sflag:s19] =	dma.local [spmem:s20], $0x200  }
0x9f: {  	_ =	swait.ge [sflag:s11], $0x200  }
0xa0: {  	[sflag:s11] =	ssyncset.done $0x0  }
0xa1: {  	[sflag:s11] =	ssyncadd.s32 $0xFFFFFE00  }
0xa2: {  	_ =	sfence.sel $0x180000  }
0xa3: {  	[bflag:$0x0] =	sbarrier.arrive $0xFFFF  }
0xa4: {  	p0 =	sne.s32 s3, $0x0;
	_ =	strace $0x90000047  }
0xa5: {  	s0 =	sadd.s32 @!p0 $0x100000, s0;
	[bflag:$0x2] =	sbarrier.arrive $0xFFFF  }
0xa6: {  	[sflag:s0] =	ssyncadd.tile.s32 @!p0 $0x1;
	_ =	shalt  }
.Lfunc_end2:
_tile_overlayer_lowered:
.L_overlay_start_2:
0xa7: {  	(tag) =	ssettag $0x2  }
0xa8: {  	s0 =	rddreg [dreg:$0x0];
	s2 =	stileid.u32  }
0xa9: {  	s1 =	rddreg [dreg:$0x1];
	p0 =	sne.s32 s2, $0x0  }
0xaa: {  	s3 =	rddreg [dreg:$0x2];
	[bflag:$0x3] =	sbarrier.arrive $0xFFFF;
	s2 =	simm.s32 @!p0 $0x1C05  }
0xab: {  	[timem:s3], [sflag:s2] =	dma.local @!p0 [hbm:s0], s1  }
0xac: {  	s0 =	simm.s32 @!p0 $0x5  }
0xad: {  	_ =	swait.ge @!p0 [sflag:s0], s1  }
0xae: {  	s1 =	ssub.s32 @!p0 $0x0, s1;
	[sflag:s0] =	ssyncset.done @!p0 $0x0  }
0xaf: {  	[sflag:s0] =	ssyncadd.s32 @!p0 s1  }
0xb0: {  	[bflag:$0x3] =	sbarrier.arrive $0xFFFF  }
0xb1: {  	_ =	shalt  }

</sc_bundles>
